<compile_context>
chip_gen: v7x
topology: tpu7x:2x2x1
jax: 0.10.2.dev20260603
libtpu: 0.0.44.dev20260713+nightly
codegen_flags: <defaults>
</compile_context>

<pallas_src>
import functools

import jax
import jax.numpy as jnp
from jax import lax
from jax.experimental import pallas as pl
from jax.experimental.pallas import tpu as pltpu
from jax.experimental.pallas import tpu_sc as plsc


def kernel(x):
    B, N, S, D = x.shape
    info = plsc.get_sparse_core_info()
    NC, NS = info.num_cores, info.num_subcores
    NW = NC * NS
    pairs = B * 2
    w_per_pair = NW // pairs
    chunk = 8
    mesh = plsc.VectorSubcoreMesh(core_axis_name="c", subcore_axis_name="s")

    nsub = 4
    sub = chunk // nsub

    @functools.partial(
        pl.kernel,
        mesh=mesh,
        out_type=jax.ShapeDtypeStruct((B, 2, S, D), x.dtype),
        compiler_params=pltpu.CompilerParams(use_tc_tiling_on_sc=True),
        scratch_types=(
            [pltpu.VMEM((sub, D), x.dtype) for _ in range(nsub)]
            + [pltpu.SemaphoreType.DMA for _ in range(2 * nsub)]
        ),
    )
    def k(x_hbm, out_hbm, *scratch):
        bufs = scratch[:nsub]
        in_sems = scratch[nsub : 2 * nsub]
        out_sems = scratch[2 * nsub :]
        wid = lax.axis_index("s") * NC + lax.axis_index("c")
        pair = wid // w_per_pair
        slot = wid % w_per_pair
        b = pair // 2
        j = pair % 2
        off = slot * chunk
        gathers = [
            pltpu.async_copy(
                x_hbm.at[b, 2 * j, pl.ds(off + i * sub, sub)], bufs[i], in_sems[i]
            )
            for i in range(nsub)
        ]
        scatters = []
        for i in range(nsub):
            gathers[i].wait()
            scatters.append(
                pltpu.async_copy(
                    bufs[i], out_hbm.at[b, j, pl.ds(off + i * sub, sub)], out_sems[i]
                )
            )
        for s in scatters:
            s.wait()

    return k(x)

# --- scband reference (transcript-rebuilt; emitter-appended) ---
"""Pipeline reference for scband-model-39848706573347 (READ-ONLY COPY).

The authoritative reference and input builder live on the scoring server;
editing this copy changes nothing except your own understanding.
"""

import jax, jax.numpy as jnp
import numpy as np

def setup_inputs(seed: int = 0) -> dict:
    key = jax.random.key(seed)
    x = jax.random.normal(key, (2, 16, 4096, 128), dtype=jnp.float32)
    return {"x": x}

def reference(x):
    # torch.split(x, 1, dim=1) -> 16 slices of shape [B,1,S,D]; pick indices 0 and 2; cat on dim 1
    t2_0 = jax.lax.slice_in_dim(x, 0, 1, axis=1)
    t2_1 = jax.lax.slice_in_dim(x, 2, 3, axis=1)
    t3 = jnp.concatenate([t2_0, t2_1], axis=1)
    return t3

if __name__ == "__main__":
    import jax
    _d = setup_inputs()
    print(jax.jit(kernel)(*tuple(_d.values())))

</pallas_src>

<mosaic_0001>
#map = affine_map<(d0, d1) -> (0, 0, 0, 0)>
module attributes {stable_mosaic.version = 14 : i64} {
  func.func @k(%arg0: i32, %arg1: i32, %arg2: memref<2x16x4096x128xf32, #tpu.memory_space<hbm>>, %arg3: memref<2x2x4096x128xf32, #tpu.memory_space<hbm>>, %arg4: memref<2x128xf32, #tpu.memory_space<vmem>>, %arg5: memref<2x128xf32, #tpu.memory_space<vmem>>, %arg6: memref<2x128xf32, #tpu.memory_space<vmem>>, %arg7: memref<2x128xf32, #tpu.memory_space<vmem>>, %arg8: memref<!tpu.dma_semaphore, #tpu.memory_space<semaphore_mem>>, %arg9: memref<!tpu.dma_semaphore, #tpu.memory_space<semaphore_mem>>, %arg10: memref<!tpu.dma_semaphore, #tpu.memory_space<semaphore_mem>>, %arg11: memref<!tpu.dma_semaphore, #tpu.memory_space<semaphore_mem>>, %arg12: memref<!tpu.dma_semaphore, #tpu.memory_space<semaphore_mem>>, %arg13: memref<!tpu.dma_semaphore, #tpu.memory_space<semaphore_mem>>, %arg14: memref<!tpu.dma_semaphore, #tpu.memory_space<semaphore_mem>>, %arg15: memref<!tpu.dma_semaphore, #tpu.memory_space<semaphore_mem>>) attributes {dimension_semantics = [#tpu.dimension_semantics<core_parallel>, #tpu.dimension_semantics<subcore_parallel>], iteration_bounds = array<i64: 2, 16>, scalar_prefetch = 0 : i64, scratch_operands = 12 : i64, tpu.core_type = #tpu.core_type<sc_vector_subcore>, window_params = [{transform_indices = #map}, {transform_indices = #map}]} {
    %mul3A = arith.constant 2 : i32
    %mul3A_0 = arith.muli %arg1, %mul3A : i32
    %add3A = arith.addi %mul3A_0, %arg0 : i32
    %jit3A = arith.constant 8 : i32
    %div3A = arith.divsi %add3A, %jit3A : i32
    %sign3A = arith.constant 0 : i32
    %sign3A_1 = arith.cmpi sgt, %add3A, %sign3A : i32
    %sign3A_2 = arith.extui %sign3A_1 : i1 to i32
    %sign3A_3 = arith.constant 0 : i32
    %sign3A_4 = arith.cmpi slt, %add3A, %sign3A_3 : i32
    %sign3A_5 = arith.extui %sign3A_4 : i1 to i32
    %sign3A_6 = arith.subi %sign3A_2, %sign3A_5 : i32
    %sign3A_7 = arith.constant 0 : i32
    %sign3A_8 = arith.cmpi sgt, %jit3A, %sign3A_7 : i32
    %sign3A_9 = arith.extui %sign3A_8 : i1 to i32
    %sign3A_10 = arith.constant 0 : i32
    %sign3A_11 = arith.cmpi slt, %jit3A, %sign3A_10 : i32
    %sign3A_12 = arith.extui %sign3A_11 : i1 to i32
    %sign3A_13 = arith.subi %sign3A_9, %sign3A_12 : i32
    %ne3A = arith.cmpi ne, %sign3A_6, %sign3A_13 : i32
    %rem3A = arith.remsi %add3A, %jit3A : i32
    %ne3A_14 = arith.constant 0 : i32
    %ne3A_15 = arith.cmpi ne, %rem3A, %ne3A_14 : i32
    %and3A = arith.andi %ne3A, %ne3A_15 : i1
    %sub3A = arith.constant 1 : i32
    %sub3A_16 = arith.subi %div3A, %sub3A : i32
    %select_n3A = arith.select %and3A, %sub3A_16, %div3A : i32
    %jit3A_17 = arith.constant 8 : i32
    %eq3A = arith.constant 0 : i32
    %eq3A_18 = arith.cmpi eq, %jit3A_17, %eq3A : i32
    %jit3A_19 = arith.constant 1 : i32
    %select_n3A_20 = arith.select %eq3A_18, %jit3A_19, %jit3A_17 : i32
    %rem3A_21 = arith.remsi %add3A, %select_n3A_20 : i32
    %ne3A_22 = arith.constant 0 : i32
    %ne3A_23 = arith.cmpi ne, %rem3A_21, %ne3A_22 : i32
    %lt3A = arith.constant 0 : i32
    %lt3A_24 = arith.cmpi slt, %rem3A_21, %lt3A : i32
    %lt3A_25 = arith.constant 0 : i32
    %lt3A_26 = arith.cmpi slt, %select_n3A_20, %lt3A_25 : i32
    %ne3A_27 = arith.xori %lt3A_24, %lt3A_26 : i1
    %and3A_28 = arith.andi %ne3A_27, %ne3A_23 : i1
    %add3A_29 = arith.addi %rem3A_21, %select_n3A_20 : i32
    %select_n3A_30 = arith.select %and3A_28, %add3A_29, %rem3A_21 : i32
    %jit3A_31 = arith.constant 2 : i32
    %div3A_32 = arith.divsi %select_n3A, %jit3A_31 : i32
    %sign3A_33 = arith.constant 0 : i32
    %sign3A_34 = arith.cmpi sgt, %select_n3A, %sign3A_33 : i32
    %sign3A_35 = arith.extui %sign3A_34 : i1 to i32
    %sign3A_36 = arith.constant 0 : i32
    %sign3A_37 = arith.cmpi slt, %select_n3A, %sign3A_36 : i32
    %sign3A_38 = arith.extui %sign3A_37 : i1 to i32
    %sign3A_39 = arith.subi %sign3A_35, %sign3A_38 : i32
    %sign3A_40 = arith.constant 0 : i32
    %sign3A_41 = arith.cmpi sgt, %jit3A_31, %sign3A_40 : i32
    %sign3A_42 = arith.extui %sign3A_41 : i1 to i32
    %sign3A_43 = arith.constant 0 : i32
    %sign3A_44 = arith.cmpi slt, %jit3A_31, %sign3A_43 : i32
    %sign3A_45 = arith.extui %sign3A_44 : i1 to i32
    %sign3A_46 = arith.subi %sign3A_42, %sign3A_45 : i32
    %ne3A_47 = arith.cmpi ne, %sign3A_39, %sign3A_46 : i32
    %rem3A_48 = arith.remsi %select_n3A, %jit3A_31 : i32
    %ne3A_49 = arith.constant 0 : i32
    %ne3A_50 = arith.cmpi ne, %rem3A_48, %ne3A_49 : i32
    %and3A_51 = arith.andi %ne3A_47, %ne3A_50 : i1
    %sub3A_52 = arith.constant 1 : i32
    %sub3A_53 = arith.subi %div3A_32, %sub3A_52 : i32
    %select_n3A_54 = arith.select %and3A_51, %sub3A_53, %div3A_32 : i32
    %jit3A_55 = arith.constant 2 : i32
    %eq3A_56 = arith.constant 0 : i32
    %eq3A_57 = arith.cmpi eq, %jit3A_55, %eq3A_56 : i32
    %jit3A_58 = arith.constant 1 : i32
    %select_n3A_59 = arith.select %eq3A_57, %jit3A_58, %jit3A_55 : i32
    %rem3A_60 = arith.remsi %select_n3A, %select_n3A_59 : i32
    %ne3A_61 = arith.constant 0 : i32
    %ne3A_62 = arith.cmpi ne, %rem3A_60, %ne3A_61 : i32
    %lt3A_63 = arith.constant 0 : i32
    %lt3A_64 = arith.cmpi slt, %rem3A_60, %lt3A_63 : i32
    %lt3A_65 = arith.constant 0 : i32
    %lt3A_66 = arith.cmpi slt, %select_n3A_59, %lt3A_65 : i32
    %ne3A_67 = arith.xori %lt3A_64, %lt3A_66 : i1
    %and3A_68 = arith.andi %ne3A_67, %ne3A_62 : i1
    %add3A_69 = arith.addi %rem3A_60, %select_n3A_59 : i32
    %select_n3A_70 = arith.select %and3A_68, %add3A_69, %rem3A_60 : i32
    %mul3A_71 = arith.constant 8 : i32
    %mul3A_72 = arith.muli %select_n3A_30, %mul3A_71 : i32
    %mul3A_73 = arith.constant 2 : i32
    %mul3A_74 = arith.muli %mul3A_73, %select_n3A_70 : i32
    %add3A_75 = arith.constant 0 : i32
    %add3A_76 = arith.addi %mul3A_72, %add3A_75 : i32
    %dma_start3A = arith.constant 0 : i32
    %dma_start3A_77 = tpu.memref_slice %arg2[%select_n3A_54, %mul3A_74, %add3A_76, %dma_start3A] : memref<2x16x4096x128xf32, #tpu.memory_space<hbm>> -> memref<1x1x2x128xf32, #tpu.memory_space<hbm>>
    %dma_start3A_78 = tpu.memref_squeeze %dma_start3A_77 : memref<1x1x2x128xf32, #tpu.memory_space<hbm>> -> memref<2x128xf32, #tpu.memory_space<hbm>>
    %dma_start3A_79 = arith.constant 0 : i32
    %dma_start3A_80 = tpu.memref_slice %arg2[%select_n3A_54, %mul3A_74, %add3A_76, %dma_start3A_79] : memref<2x16x4096x128xf32, #tpu.memory_space<hbm>> -> memref<1x1x2x128xf32, #tpu.memory_space<hbm>>
    %dma_start3A_81 = tpu.memref_squeeze %dma_start3A_80 : memref<1x1x2x128xf32, #tpu.memory_space<hbm>> -> memref<2x128xf32, #tpu.memory_space<hbm>>
    tpu.enqueue_dma source(%dma_start3A_81 : memref<2x128xf32, #tpu.memory_space<hbm>>) target(%arg4 : memref<2x128xf32, #tpu.memory_space<vmem>>) target_semaphore(%arg8 : memref<!tpu.dma_semaphore, #tpu.memory_space<semaphore_mem>>)
    %mul3A_82 = arith.constant 2 : i32
    %mul3A_83 = arith.muli %mul3A_82, %select_n3A_70 : i32
    %add3A_84 = arith.constant 2 : i32
    %add3A_85 = arith.addi %mul3A_72, %add3A_84 : i32
    %dma_start3A_86 = arith.constant 0 : i32
    %dma_start3A_87 = tpu.memref_slice %arg2[%select_n3A_54, %mul3A_83, %add3A_85, %dma_start3A_86] : memref<2x16x4096x128xf32, #tpu.memory_space<hbm>> -> memref<1x1x2x128xf32, #tpu.memory_space<hbm>>
    %dma_start3A_88 = tpu.memref_squeeze %dma_start3A_87 : memref<1x1x2x128xf32, #tpu.memory_space<hbm>> -> memref<2x128xf32, #tpu.memory_space<hbm>>
    %dma_start3A_89 = arith.constant 0 : i32
    %dma_start3A_90 = tpu.memref_slice %arg2[%select_n3A_54, %mul3A_83, %add3A_85, %dma_start3A_89] : memref<2x16x4096x128xf32, #tpu.memory_space<hbm>> -> memref<1x1x2x128xf32, #tpu.memory_space<hbm>>
    %dma_start3A_91 = tpu.memref_squeeze %dma_start3A_90 : memref<1x1x2x128xf32, #tpu.memory_space<hbm>> -> memref<2x128xf32, #tpu.memory_space<hbm>>
    tpu.enqueue_dma source(%dma_start3A_91 : memref<2x128xf32, #tpu.memory_space<hbm>>) target(%arg5 : memref<2x128xf32, #tpu.memory_space<vmem>>) target_semaphore(%arg9 : memref<!tpu.dma_semaphore, #tpu.memory_space<semaphore_mem>>)
    %mul3A_92 = arith.constant 2 : i32
    %mul3A_93 = arith.muli %mul3A_92, %select_n3A_70 : i32
    %add3A_94 = arith.constant 4 : i32
    %add3A_95 = arith.addi %mul3A_72, %add3A_94 : i32
    %dma_start3A_96 = arith.constant 0 : i32
    %dma_start3A_97 = tpu.memref_slice %arg2[%select_n3A_54, %mul3A_93, %add3A_95, %dma_start3A_96] : memref<2x16x4096x128xf32, #tpu.memory_space<hbm>> -> memref<1x1x2x128xf32, #tpu.memory_space<hbm>>
    %dma_start3A_98 = tpu.memref_squeeze %dma_start3A_97 : memref<1x1x2x128xf32, #tpu.memory_space<hbm>> -> memref<2x128xf32, #tpu.memory_space<hbm>>
    %dma_start3A_99 = arith.constant 0 : i32
    %dma_start3A_100 = tpu.memref_slice %arg2[%select_n3A_54, %mul3A_93, %add3A_95, %dma_start3A_99] : memref<2x16x4096x128xf32, #tpu.memory_space<hbm>> -> memref<1x1x2x128xf32, #tpu.memory_space<hbm>>
    %dma_start3A_101 = tpu.memref_squeeze %dma_start3A_100 : memref<1x1x2x128xf32, #tpu.memory_space<hbm>> -> memref<2x128xf32, #tpu.memory_space<hbm>>
    tpu.enqueue_dma source(%dma_start3A_101 : memref<2x128xf32, #tpu.memory_space<hbm>>) target(%arg6 : memref<2x128xf32, #tpu.memory_space<vmem>>) target_semaphore(%arg10 : memref<!tpu.dma_semaphore, #tpu.memory_space<semaphore_mem>>)
    %mul3A_102 = arith.constant 2 : i32
    %mul3A_103 = arith.muli %mul3A_102, %select_n3A_70 : i32
    %add3A_104 = arith.constant 6 : i32
    %add3A_105 = arith.addi %mul3A_72, %add3A_104 : i32
    %dma_start3A_106 = arith.constant 0 : i32
    %dma_start3A_107 = tpu.memref_slice %arg2[%select_n3A_54, %mul3A_103, %add3A_105, %dma_start3A_106] : memref<2x16x4096x128xf32, #tpu.memory_space<hbm>> -> memref<1x1x2x128xf32, #tpu.memory_space<hbm>>
    %dma_start3A_108 = tpu.memref_squeeze %dma_start3A_107 : memref<1x1x2x128xf32, #tpu.memory_space<hbm>> -> memref<2x128xf32, #tpu.memory_space<hbm>>
    %dma_start3A_109 = arith.constant 0 : i32
    %dma_start3A_110 = tpu.memref_slice %arg2[%select_n3A_54, %mul3A_103, %add3A_105, %dma_start3A_109] : memref<2x16x4096x128xf32, #tpu.memory_space<hbm>> -> memref<1x1x2x128xf32, #tpu.memory_space<hbm>>
    %dma_start3A_111 = tpu.memref_squeeze %dma_start3A_110 : memref<1x1x2x128xf32, #tpu.memory_space<hbm>> -> memref<2x128xf32, #tpu.memory_space<hbm>>
    tpu.enqueue_dma source(%dma_start3A_111 : memref<2x128xf32, #tpu.memory_space<hbm>>) target(%arg7 : memref<2x128xf32, #tpu.memory_space<vmem>>) target_semaphore(%arg11 : memref<!tpu.dma_semaphore, #tpu.memory_space<semaphore_mem>>)
    %dma_wait3A = arith.constant 0 : i32
    %dma_wait3A_112 = tpu.memref_slice %arg2[%select_n3A_54, %mul3A_74, %add3A_76, %dma_wait3A] : memref<2x16x4096x128xf32, #tpu.memory_space<hbm>> -> memref<1x1x2x128xf32, #tpu.memory_space<hbm>>
    %dma_wait3A_113 = tpu.memref_squeeze %dma_wait3A_112 : memref<1x1x2x128xf32, #tpu.memory_space<hbm>> -> memref<2x128xf32, #tpu.memory_space<hbm>>
    %dma_wait3A_114 = arith.constant 0 : i32
    %dma_wait3A_115 = tpu.memref_slice %arg2[%select_n3A_54, %mul3A_74, %add3A_76, %dma_wait3A_114] : memref<2x16x4096x128xf32, #tpu.memory_space<hbm>> -> memref<1x1x2x128xf32, #tpu.memory_space<hbm>>
    %dma_wait3A_116 = tpu.memref_squeeze %dma_wait3A_115 : memref<1x1x2x128xf32, #tpu.memory_space<hbm>> -> memref<2x128xf32, #tpu.memory_space<hbm>>
    tpu.wait_dma2 semaphore(%arg8 : memref<!tpu.dma_semaphore, #tpu.memory_space<semaphore_mem>>) src(%dma_wait3A_116 : memref<2x128xf32, #tpu.memory_space<hbm>>) dst(%arg4 : memref<2x128xf32, #tpu.memory_space<vmem>>)
    %add3A_117 = arith.constant 0 : i32
    %add3A_118 = arith.addi %mul3A_72, %add3A_117 : i32
    %dma_start3A_119 = arith.constant 0 : i32
    %dma_start3A_120 = tpu.memref_slice %arg3[%select_n3A_54, %select_n3A_70, %add3A_118, %dma_start3A_119] : memref<2x2x4096x128xf32, #tpu.memory_space<hbm>> -> memref<1x1x2x128xf32, #tpu.memory_space<hbm>>
    %dma_start3A_121 = tpu.memref_squeeze %dma_start3A_120 : memref<1x1x2x128xf32, #tpu.memory_space<hbm>> -> memref<2x128xf32, #tpu.memory_space<hbm>>
    %dma_start3A_122 = arith.constant 0 : i32
    %dma_start3A_123 = tpu.memref_slice %arg3[%select_n3A_54, %select_n3A_70, %add3A_118, %dma_start3A_122] : memref<2x2x4096x128xf32, #tpu.memory_space<hbm>> -> memref<1x1x2x128xf32, #tpu.memory_space<hbm>>
    %dma_start3A_124 = tpu.memref_squeeze %dma_start3A_123 : memref<1x1x2x128xf32, #tpu.memory_space<hbm>> -> memref<2x128xf32, #tpu.memory_space<hbm>>
    tpu.enqueue_dma source(%arg4 : memref<2x128xf32, #tpu.memory_space<vmem>>) target(%dma_start3A_124 : memref<2x128xf32, #tpu.memory_space<hbm>>) target_semaphore(%arg12 : memref<!tpu.dma_semaphore, #tpu.memory_space<semaphore_mem>>)
    %dma_wait3A_125 = arith.constant 0 : i32
    %dma_wait3A_126 = tpu.memref_slice %arg2[%select_n3A_54, %mul3A_83, %add3A_85, %dma_wait3A_125] : memref<2x16x4096x128xf32, #tpu.memory_space<hbm>> -> memref<1x1x2x128xf32, #tpu.memory_space<hbm>>
    %dma_wait3A_127 = tpu.memref_squeeze %dma_wait3A_126 : memref<1x1x2x128xf32, #tpu.memory_space<hbm>> -> memref<2x128xf32, #tpu.memory_space<hbm>>
    %dma_wait3A_128 = arith.constant 0 : i32
    %dma_wait3A_129 = tpu.memref_slice %arg2[%select_n3A_54, %mul3A_83, %add3A_85, %dma_wait3A_128] : memref<2x16x4096x128xf32, #tpu.memory_space<hbm>> -> memref<1x1x2x128xf32, #tpu.memory_space<hbm>>
    %dma_wait3A_130 = tpu.memref_squeeze %dma_wait3A_129 : memref<1x1x2x128xf32, #tpu.memory_space<hbm>> -> memref<2x128xf32, #tpu.memory_space<hbm>>
    tpu.wait_dma2 semaphore(%arg9 : memref<!tpu.dma_semaphore, #tpu.memory_space<semaphore_mem>>) src(%dma_wait3A_130 : memref<2x128xf32, #tpu.memory_space<hbm>>) dst(%arg5 : memref<2x128xf32, #tpu.memory_space<vmem>>)
    %add3A_131 = arith.constant 2 : i32
    %add3A_132 = arith.addi %mul3A_72, %add3A_131 : i32
    %dma_start3A_133 = arith.constant 0 : i32
    %dma_start3A_134 = tpu.memref_slice %arg3[%select_n3A_54, %select_n3A_70, %add3A_132, %dma_start3A_133] : memref<2x2x4096x128xf32, #tpu.memory_space<hbm>> -> memref<1x1x2x128xf32, #tpu.memory_space<hbm>>
    %dma_start3A_135 = tpu.memref_squeeze %dma_start3A_134 : memref<1x1x2x128xf32, #tpu.memory_space<hbm>> -> memref<2x128xf32, #tpu.memory_space<hbm>>
    %dma_start3A_136 = arith.constant 0 : i32
    %dma_start3A_137 = tpu.memref_slice %arg3[%select_n3A_54, %select_n3A_70, %add3A_132, %dma_start3A_136] : memref<2x2x4096x128xf32, #tpu.memory_space<hbm>> -> memref<1x1x2x128xf32, #tpu.memory_space<hbm>>
    %dma_start3A_138 = tpu.memref_squeeze %dma_start3A_137 : memref<1x1x2x128xf32, #tpu.memory_space<hbm>> -> memref<2x128xf32, #tpu.memory_space<hbm>>
    tpu.enqueue_dma source(%arg5 : memref<2x128xf32, #tpu.memory_space<vmem>>) target(%dma_start3A_138 : memref<2x128xf32, #tpu.memory_space<hbm>>) target_semaphore(%arg13 : memref<!tpu.dma_semaphore, #tpu.memory_space<semaphore_mem>>)
    %dma_wait3A_139 = arith.constant 0 : i32
    %dma_wait3A_140 = tpu.memref_slice %arg2[%select_n3A_54, %mul3A_93, %add3A_95, %dma_wait3A_139] : memref<2x16x4096x128xf32, #tpu.memory_space<hbm>> -> memref<1x1x2x128xf32, #tpu.memory_space<hbm>>
    %dma_wait3A_141 = tpu.memref_squeeze %dma_wait3A_140 : memref<1x1x2x128xf32, #tpu.memory_space<hbm>> -> memref<2x128xf32, #tpu.memory_space<hbm>>
    %dma_wait3A_142 = arith.constant 0 : i32
    %dma_wait3A_143 = tpu.memref_slice %arg2[%select_n3A_54, %mul3A_93, %add3A_95, %dma_wait3A_142] : memref<2x16x4096x128xf32, #tpu.memory_space<hbm>> -> memref<1x1x2x128xf32, #tpu.memory_space<hbm>>
    %dma_wait3A_144 = tpu.memref_squeeze %dma_wait3A_143 : memref<1x1x2x128xf32, #tpu.memory_space<hbm>> -> memref<2x128xf32, #tpu.memory_space<hbm>>
    tpu.wait_dma2 semaphore(%arg10 : memref<!tpu.dma_semaphore, #tpu.memory_space<semaphore_mem>>) src(%dma_wait3A_144 : memref<2x128xf32, #tpu.memory_space<hbm>>) dst(%arg6 : memref<2x128xf32, #tpu.memory_space<vmem>>)
    %add3A_145 = arith.constant 4 : i32
    %add3A_146 = arith.addi %mul3A_72, %add3A_145 : i32
    %dma_start3A_147 = arith.constant 0 : i32
    %dma_start3A_148 = tpu.memref_slice %arg3[%select_n3A_54, %select_n3A_70, %add3A_146, %dma_start3A_147] : memref<2x2x4096x128xf32, #tpu.memory_space<hbm>> -> memref<1x1x2x128xf32, #tpu.memory_space<hbm>>
    %dma_start3A_149 = tpu.memref_squeeze %dma_start3A_148 : memref<1x1x2x128xf32, #tpu.memory_space<hbm>> -> memref<2x128xf32, #tpu.memory_space<hbm>>
    %dma_start3A_150 = arith.constant 0 : i32
    %dma_start3A_151 = tpu.memref_slice %arg3[%select_n3A_54, %select_n3A_70, %add3A_146, %dma_start3A_150] : memref<2x2x4096x128xf32, #tpu.memory_space<hbm>> -> memref<1x1x2x128xf32, #tpu.memory_space<hbm>>
    %dma_start3A_152 = tpu.memref_squeeze %dma_start3A_151 : memref<1x1x2x128xf32, #tpu.memory_space<hbm>> -> memref<2x128xf32, #tpu.memory_space<hbm>>
    tpu.enqueue_dma source(%arg6 : memref<2x128xf32, #tpu.memory_space<vmem>>) target(%dma_start3A_152 : memref<2x128xf32, #tpu.memory_space<hbm>>) target_semaphore(%arg14 : memref<!tpu.dma_semaphore, #tpu.memory_space<semaphore_mem>>)
    %dma_wait3A_153 = arith.constant 0 : i32
    %dma_wait3A_154 = tpu.memref_slice %arg2[%select_n3A_54, %mul3A_103, %add3A_105, %dma_wait3A_153] : memref<2x16x4096x128xf32, #tpu.memory_space<hbm>> -> memref<1x1x2x128xf32, #tpu.memory_space<hbm>>
    %dma_wait3A_155 = tpu.memref_squeeze %dma_wait3A_154 : memref<1x1x2x128xf32, #tpu.memory_space<hbm>> -> memref<2x128xf32, #tpu.memory_space<hbm>>
    %dma_wait3A_156 = arith.constant 0 : i32
    %dma_wait3A_157 = tpu.memref_slice %arg2[%select_n3A_54, %mul3A_103, %add3A_105, %dma_wait3A_156] : memref<2x16x4096x128xf32, #tpu.memory_space<hbm>> -> memref<1x1x2x128xf32, #tpu.memory_space<hbm>>
    %dma_wait3A_158 = tpu.memref_squeeze %dma_wait3A_157 : memref<1x1x2x128xf32, #tpu.memory_space<hbm>> -> memref<2x128xf32, #tpu.memory_space<hbm>>
    tpu.wait_dma2 semaphore(%arg11 : memref<!tpu.dma_semaphore, #tpu.memory_space<semaphore_mem>>) src(%dma_wait3A_158 : memref<2x128xf32, #tpu.memory_space<hbm>>) dst(%arg7 : memref<2x128xf32, #tpu.memory_space<vmem>>)
    %add3A_159 = arith.constant 6 : i32
    %add3A_160 = arith.addi %mul3A_72, %add3A_159 : i32
    %dma_start3A_161 = arith.constant 0 : i32
    %dma_start3A_162 = tpu.memref_slice %arg3[%select_n3A_54, %select_n3A_70, %add3A_160, %dma_start3A_161] : memref<2x2x4096x128xf32, #tpu.memory_space<hbm>> -> memref<1x1x2x128xf32, #tpu.memory_space<hbm>>
    %dma_start3A_163 = tpu.memref_squeeze %dma_start3A_162 : memref<1x1x2x128xf32, #tpu.memory_space<hbm>> -> memref<2x128xf32, #tpu.memory_space<hbm>>
    %dma_start3A_164 = arith.constant 0 : i32
    %dma_start3A_165 = tpu.memref_slice %arg3[%select_n3A_54, %select_n3A_70, %add3A_160, %dma_start3A_164] : memref<2x2x4096x128xf32, #tpu.memory_space<hbm>> -> memref<1x1x2x128xf32, #tpu.memory_space<hbm>>
    %dma_start3A_166 = tpu.memref_squeeze %dma_start3A_165 : memref<1x1x2x128xf32, #tpu.memory_space<hbm>> -> memref<2x128xf32, #tpu.memory_space<hbm>>
    tpu.enqueue_dma source(%arg7 : memref<2x128xf32, #tpu.memory_space<vmem>>) target(%dma_start3A_166 : memref<2x128xf32, #tpu.memory_space<hbm>>) target_semaphore(%arg15 : memref<!tpu.dma_semaphore, #tpu.memory_space<semaphore_mem>>)
    %dma_wait3A_167 = arith.constant 0 : i32
    %dma_wait3A_168 = tpu.memref_slice %arg3[%select_n3A_54, %select_n3A_70, %add3A_118, %dma_wait3A_167] : memref<2x2x4096x128xf32, #tpu.memory_space<hbm>> -> memref<1x1x2x128xf32, #tpu.memory_space<hbm>>
    %dma_wait3A_169 = tpu.memref_squeeze %dma_wait3A_168 : memref<1x1x2x128xf32, #tpu.memory_space<hbm>> -> memref<2x128xf32, #tpu.memory_space<hbm>>
    %dma_wait3A_170 = arith.constant 0 : i32
    %dma_wait3A_171 = tpu.memref_slice %arg3[%select_n3A_54, %select_n3A_70, %add3A_118, %dma_wait3A_170] : memref<2x2x4096x128xf32, #tpu.memory_space<hbm>> -> memref<1x1x2x128xf32, #tpu.memory_space<hbm>>
    %dma_wait3A_172 = tpu.memref_squeeze %dma_wait3A_171 : memref<1x1x2x128xf32, #tpu.memory_space<hbm>> -> memref<2x128xf32, #tpu.memory_space<hbm>>
    tpu.wait_dma2 semaphore(%arg12 : memref<!tpu.dma_semaphore, #tpu.memory_space<semaphore_mem>>) src(%arg4 : memref<2x128xf32, #tpu.memory_space<vmem>>) dst(%dma_wait3A_172 : memref<2x128xf32, #tpu.memory_space<hbm>>)
    %dma_wait3A_173 = arith.constant 0 : i32
    %dma_wait3A_174 = tpu.memref_slice %arg3[%select_n3A_54, %select_n3A_70, %add3A_132, %dma_wait3A_173] : memref<2x2x4096x128xf32, #tpu.memory_space<hbm>> -> memref<1x1x2x128xf32, #tpu.memory_space<hbm>>
    %dma_wait3A_175 = tpu.memref_squeeze %dma_wait3A_174 : memref<1x1x2x128xf32, #tpu.memory_space<hbm>> -> memref<2x128xf32, #tpu.memory_space<hbm>>
    %dma_wait3A_176 = arith.constant 0 : i32
    %dma_wait3A_177 = tpu.memref_slice %arg3[%select_n3A_54, %select_n3A_70, %add3A_132, %dma_wait3A_176] : memref<2x2x4096x128xf32, #tpu.memory_space<hbm>> -> memref<1x1x2x128xf32, #tpu.memory_space<hbm>>
    %dma_wait3A_178 = tpu.memref_squeeze %dma_wait3A_177 : memref<1x1x2x128xf32, #tpu.memory_space<hbm>> -> memref<2x128xf32, #tpu.memory_space<hbm>>
    tpu.wait_dma2 semaphore(%arg13 : memref<!tpu.dma_semaphore, #tpu.memory_space<semaphore_mem>>) src(%arg5 : memref<2x128xf32, #tpu.memory_space<vmem>>) dst(%dma_wait3A_178 : memref<2x128xf32, #tpu.memory_space<hbm>>)
    %dma_wait3A_179 = arith.constant 0 : i32
    %dma_wait3A_180 = tpu.memref_slice %arg3[%select_n3A_54, %select_n3A_70, %add3A_146, %dma_wait3A_179] : memref<2x2x4096x128xf32, #tpu.memory_space<hbm>> -> memref<1x1x2x128xf32, #tpu.memory_space<hbm>>
    %dma_wait3A_181 = tpu.memref_squeeze %dma_wait3A_180 : memref<1x1x2x128xf32, #tpu.memory_space<hbm>> -> memref<2x128xf32, #tpu.memory_space<hbm>>
    %dma_wait3A_182 = arith.constant 0 : i32
    %dma_wait3A_183 = tpu.memref_slice %arg3[%select_n3A_54, %select_n3A_70, %add3A_146, %dma_wait3A_182] : memref<2x2x4096x128xf32, #tpu.memory_space<hbm>> -> memref<1x1x2x128xf32, #tpu.memory_space<hbm>>
    %dma_wait3A_184 = tpu.memref_squeeze %dma_wait3A_183 : memref<1x1x2x128xf32, #tpu.memory_space<hbm>> -> memref<2x128xf32, #tpu.memory_space<hbm>>
    tpu.wait_dma2 semaphore(%arg14 : memref<!tpu.dma_semaphore, #tpu.memory_space<semaphore_mem>>) src(%arg6 : memref<2x128xf32, #tpu.memory_space<vmem>>) dst(%dma_wait3A_184 : memref<2x128xf32, #tpu.memory_space<hbm>>)
    %dma_wait3A_185 = arith.constant 0 : i32
    %dma_wait3A_186 = tpu.memref_slice %arg3[%select_n3A_54, %select_n3A_70, %add3A_160, %dma_wait3A_185] : memref<2x2x4096x128xf32, #tpu.memory_space<hbm>> -> memref<1x1x2x128xf32, #tpu.memory_space<hbm>>
    %dma_wait3A_187 = tpu.memref_squeeze %dma_wait3A_186 : memref<1x1x2x128xf32, #tpu.memory_space<hbm>> -> memref<2x128xf32, #tpu.memory_space<hbm>>
    %dma_wait3A_188 = arith.constant 0 : i32
    %dma_wait3A_189 = tpu.memref_slice %arg3[%select_n3A_54, %select_n3A_70, %add3A_160, %dma_wait3A_188] : memref<2x2x4096x128xf32, #tpu.memory_space<hbm>> -> memref<1x1x2x128xf32, #tpu.memory_space<hbm>>
    %dma_wait3A_190 = tpu.memref_squeeze %dma_wait3A_189 : memref<1x1x2x128xf32, #tpu.memory_space<hbm>> -> memref<2x128xf32, #tpu.memory_space<hbm>>
    tpu.wait_dma2 semaphore(%arg15 : memref<!tpu.dma_semaphore, #tpu.memory_space<semaphore_mem>>) src(%arg7 : memref<2x128xf32, #tpu.memory_space<vmem>>) dst(%dma_wait3A_190 : memref<2x128xf32, #tpu.memory_space<hbm>>)
    return
  }
}

</mosaic_0001>

<sc_bundles>
// kernel: kernel.3.cloned.1.call-start
scs
__scs_entry_jumppad:
0x0: {  	(pc) =	sbr.rel $0x88, $3  }
0x1: {  	(tag) =	ssettag $0x0;
	lr =	simm.s32 $0x1  }
0x2: {  	[smem:$0x3FA0] =	sst lr;
	_ =	strace $0xD0000000  }
0x3: {  	_ = 	snop  }
0x4: {  	_ = 	snop  }
0x5: {  	_ = 	snop  }
0x6: {  	_ = 	snop  }
0x7: {  	_ = 	snop  }
__scs_overlays_trampoline_lowered:
0x8: {  	[smem:$0x3FAF] =	sst s0  }
0x9: {  	[smem:$0x3FB0] =	sst s1  }
0xa: {  	[smem:$0x3FB1] =	sst s2  }
0xb: {  	[smem:$0x3FB2] =	sst s3  }
0xc: {  	[smem:$0x3FB3] =	sst s4  }
0xd: {  	[smem:$0x3FB4] =	sst s5  }
0xe: {  	[smem:$0x3FB5] =	sst s6  }
0xf: {  	[smem:$0x3FB6] =	sst s7  }
0x10: {  	[smem:$0x3FB7] =	sst s8  }
0x11: {  	[smem:$0x3FB8] =	sst s9;
	s0 =	simm.s32 @!p0 $0x0  }
0x12: {  	s1 =	sld [smem:$0x3F9E];
	s0 =	simm.s32 @p0 $0x1  }
0x13: {  	[smem:$0x3FB9] =	sst s0;
	s0 =	simm.s32 @!p1 $0x0  }
0x14: {  	s2 =	sld [smem:$0x3F9D];
	s0 =	simm.s32 @p1 $0x1  }
0x15: {  	[smem:$0x3FBA] =	sst s0;
	s0 =	simm.s32 @!p2 $0x0  }
0x16: {  	s3 =	sld [smem:$0x3FDB];
	s0 =	simm.s32 @p2 $0x1  }
0x17: {  	s4 =	simm.s32 $0x1BF5;
	[smem:$0x3FBC] =	sst s0  }
0x18: {  	s0 =	sld [smem:$0x3F9F];
	_ =	swait.ge [sflag:s4], $0x0  }
0x19: {  	s7 =	sld [smem:$0x3FA0]  }
0x1a: {  	s8 =	sadd.s32 $0xFFFFE003, lr  }
0x1b: {  	s9 =	sadd.s32 $0xFFFFFEF7, lr;
	s5 =	simm.s32 $0xFFFFFFFF;
	p2 =	slt.u32 s8, $0xFFFFF086  }
0x1c: {  	p1 =	slt.u32 s9, $0xF7A;
	s5 =	simm.s32 @!p2 $0x0  }
0x1d: {  	s5 =	simm.s32 @p1 $0x1;
	p0 =	seq.s32 s7, s2  }
0x1e: {  	s7 =	smul.u32 @!p0 $0xF7A, s2;
	p2 =	seq.s32 @!p0 s5, $0x0  }
0x1f: {  	s9 =	smul.u32 $0xF7A, s1;
	s8 =	simm.s32 @!p0 $0x1BF5;
	p2 =	por !p2, p0  }
0x20: {  	[sflag:s8] =	ssyncset.s32 @!p0 $0xFFFFF086;
	s6 =	sadd.s32 @!p0 s3, s7;
	s7 =	simm.s32 @!p0 $0x108  }
0x21: {  	s3 =	sadd.s32 s3, s9;
	s6 =	sadd.s32 @!p0 $0x88, s6;
	s7 =	simm.s32 @p2 $0x1082  }
0x22: {  	[simem:s7], [sflag:s8] =	dma.local @!p0 [hbm:s6], $0xF7A  }
0x23: {  	s9 =	sor.u32 $0xD0000000, s2;
	s6 =	simm.s32 $0x108;
	_ =	swait.ge @!p0 [sflag:s8], $0x0  }
0x24: {  	s3 =	sadd.s32 $0x88, s3;
	s6 =	simm.s32 @!p1 $0x1082;
	[sflag:s4] =	ssyncset.s32 $0xFFFFF086  }
0x25: {  	[simem:s6], [sflag:s4] =	dma.local [hbm:s3], $0xF7A  }
0x26: {  	[smem:$0x3FA0] =	sst s1;
	(tag) =	ssettag s2;
	_ =	strace s9  }
0x27: {  	s1 =	sld [smem:$0x3FB0]  }
0x28: {  	s2 =	sld [smem:$0x3FB1]  }
0x29: {  	s4 =	sld [smem:$0x3FB3]  }
0x2a: {  	p0 =	seq.s32 s5, $0x0;
	s5 =	sld [smem:$0x3FB4]  }
0x2b: {  	s6 =	sld [smem:$0x3FB5]  }
0x2c: {  	s7 =	sld [smem:$0x3FB6]  }
0x2d: {  	s3 =	simm.s32 $0x108;
	s8 =	sld [smem:$0x3FB7]  }
0x2e: {  	s3 =	simm.s32 @!p0 $0x1082;
	s9 =	sld [smem:$0x3FB8]  }
0x2f: {  	lr =	sadd.s32 s0, s3;
	s0 =	sld [smem:$0x3FAF]  }
0x30: {  	s3 =	sld [smem:$0x3FB2]  }
0x31: {  	[smem:$0x3FBB] =	sst s10  }
0x32: {  	s10 =	sld [smem:$0x3FB9];
	_ =	sdelay $0x3  }
0x33: {  	p0 =	seq.s32 s10, $0x1;
	s10 =	sld [smem:$0x3FBB];
	_ =	sdelay $0x3  }
0x34: {  	[smem:$0x3FBB] =	sst s10  }
0x35: {  	s10 =	sld [smem:$0x3FBA];
	_ =	sdelay $0x3  }
0x36: {  	p1 =	seq.s32 s10, $0x1;
	s10 =	sld [smem:$0x3FBB];
	_ =	sdelay $0x3  }
0x37: {  	[smem:$0x3FBB] =	sst s10  }
0x38: {  	s10 =	sld [smem:$0x3FBC]  }
0x39: {  	_ = 	snop;
	(pc) =	sbr.ind lr, $3  }
0x3a: {  	_ = 	snop  }
0x3b: {  	_ = 	snop  }
0x3c: {  	p2 =	seq.s32 s10, $0x1;
	s10 =	sld [smem:$0x3FBB]  }
0x3d: {  	_ =	shalt  }
0x3e: {  	_ =	shalt  }
0x3f: {  	_ =	shalt  }
0x40: {  	_ =	shalt  }
0x41: {  	_ =	shalt  }
0x42: {  	_ =	shalt  }
0x43: {  	_ =	shalt  }
0x44: {  	_ =	shalt  }
0x45: {  	_ =	shalt  }
0x46: {  	_ =	shalt  }
0x47: {  	_ =	shalt  }
0x48: {  	_ =	shalt  }
0x49: {  	_ =	shalt  }
0x4a: {  	_ =	shalt  }
0x4b: {  	_ =	shalt  }
0x4c: {  	_ =	shalt  }
0x4d: {  	_ =	shalt  }
0x4e: {  	_ =	shalt  }
0x4f: {  	_ =	shalt  }
0x50: {  	_ =	shalt  }
0x51: {  	_ =	shalt  }
0x52: {  	_ =	shalt  }
0x53: {  	_ =	shalt  }
0x54: {  	_ =	shalt  }
0x55: {  	_ =	shalt  }
0x56: {  	_ =	shalt  }
0x57: {  	_ =	shalt  }
0x58: {  	_ =	shalt  }
0x59: {  	_ =	shalt  }
0x5a: {  	_ =	shalt  }
0x5b: {  	_ =	shalt  }
0x5c: {  	_ =	shalt  }
0x5d: {  	_ =	shalt  }
0x5e: {  	_ =	shalt  }
0x5f: {  	_ =	shalt  }
0x60: {  	_ =	shalt  }
0x61: {  	_ =	shalt  }
0x62: {  	_ =	shalt  }
0x63: {  	_ =	shalt  }
0x64: {  	_ =	shalt  }
0x65: {  	_ =	shalt  }
0x66: {  	_ =	shalt  }
0x67: {  	_ =	shalt  }
0x68: {  	_ =	shalt  }
0x69: {  	_ =	shalt  }
0x6a: {  	_ =	shalt  }
0x6b: {  	_ =	shalt  }
0x6c: {  	_ =	shalt  }
0x6d: {  	_ =	shalt  }
0x6e: {  	_ =	shalt  }
0x6f: {  	_ =	shalt  }
0x70: {  	_ =	shalt  }
0x71: {  	_ =	shalt  }
0x72: {  	_ =	shalt  }
0x73: {  	_ =	shalt  }
0x74: {  	_ =	shalt  }
0x75: {  	_ =	shalt  }
0x76: {  	_ =	shalt  }
0x77: {  	_ =	shalt  }
0x78: {  	_ =	shalt  }
0x79: {  	_ =	shalt  }
0x7a: {  	_ =	shalt  }
0x7b: {  	_ =	shalt  }
0x7c: {  	_ =	shalt  }
0x7d: {  	_ =	shalt  }
0x7e: {  	_ =	shalt  }
0x7f: {  	_ =	shalt  }
0x80: {  	_ =	shalt  }
0x81: {  	_ =	shalt  }
0x82: {  	_ =	shalt  }
0x83: {  	_ =	shalt  }
0x84: {  	_ =	shalt  }
0x85: {  	_ =	shalt  }
0x86: {  	_ =	shalt  }
0x87: {  	_ =	shalt  }
.Lfunc_end0:
.L_simem_size_0:
called_computation_lowered:
.L_overlay_start_0:
0x88: {  	s2 =	sld [smem:$0x3FD9]  }
0x89: {  	s3 =	sld [smem:$0x3FFE];
	_ =	sdelay $0x1  }
0x8a: {  	s1 =	srdreg.scid  }
0x8b: {  	s0 =	sand.u32 $0x1, s1  }
0x8c: {  	s18 =	sshll.u32 s0, $0xA;
	s2 =	sadd.s32 s3, s2  }
0x8d: {  	s2 =	sadd.s32 s2, s18  }
0x8e: {  	[smem:$0x3FC7] =	sst s2  }
0x8f: {  	_ = 	snop  }
0x90: {  	s2 =	sld [smem:$0x3FC9]  }
0x91: {  	s19 =	sld [smem:$0x3FD0];
	(tm) =	ssettm $0x1  }
0x92: {  	s4 =	sld [smem:$0x3FFB];
	_ =	sdelay $0x3  }
0x93: {  	_ =	strace s4  }
0x94: {  	s4 =	sld [smem:$0x3FFC];
	_ =	sdelay $0x3  }
0x95: {  	_ =	strace s4  }
0x96: {  	s4 =	sld [smem:$0x3FFD];
	_ =	sdelay $0x3  }
0x97: {  	_ =	strace s4  }
0x98: {  	_ =	strace $0x8FFFFFFF  }
0x99: {  	s20 =	sld [smem:$0x3FDB];
	_ =	sdelay $0x1  }
0x9a: {  	s5 =	simm.s32 $_scs_section_size  }
0x9b: {  	s6 =	simm.s32 $_size__tile_overlayer_lowered;
	s7 =	simm.s32 $_tile_overlayer_lowered  }
0x9c: {  	s23 =	simm.s32 $0x1BFF;
	s22 =	sshll.u32 s7, $0x1;
	s4 =	sadd.s32 s5, s20  }
0x9d: {  	s8 =	simm.s32 $0x0;
	s21 =	sshll.u32 s6, $0x1;
	s6 =	sadd.s32 s22, s4  }
0x9e: {  	[timem:s8], [sflag:s23] =	dma.local [hbm:s6], s21  }
0x9f: {  	_ =	swait.ge [sflag:s23], s21  }
0xa0: {  	s5 =	ssub.s32 $0x0, s21;
	[sflag:s23] =	ssyncset.done $0x0  }
0xa1: {  	[sflag:s23] =	ssyncadd.s32 s5;
	_ =	sdelay $0x1  }
0xa2: {  	s24 =	simm.s32 $0x1B8B  }
0xa3: {  	_ =	swait.ge [sflag:s24], $0x1  }
0xa4: {  	[sflag:s24] =	ssyncset.done $0x0  }
0xa5: {  	s25 =	simm.s32 $0x1B8E;
	[sflag:s24] =	ssyncadd.s32 $0xFFFFFFFF  }
0xa6: {  	s26 =	simm.s32 $execute0_lowered;
	[smem:$0x3FD2] =	sst s25  }
0xa7: {  	s5 =	sshll.u32 s26, $0x1;
	_ =	strace $0x80000046;
	[dreg:$0x1] =	wrdreg $0xFFFFFFFF  }
0xa8: {  	s28 =	simm.s32 $_size_execute0_lowered;
	s4 =	sadd.s32 s4, s5;
	[dreg:$0x0] =	wrdreg $0x0  }
0xa9: {  	s5 =	sshll.u32 s28, $0x1;
	[dreg:$0x2] =	wrdreg s4  }
0xaa: {  	[dreg:$0x3] =	wrdreg s5  }
0xab: {  	[dreg:$0x4] =	wrdreg $0xC0  }
0xac: {  	_ =	task [dreg:s8], $0x5FFFF  }
0xad: {  	[dreg:$0x1] =	wrdreg $0xFFFFFFFF  }
0xae: {  	[dreg:$0x0] =	wrdreg $0x60  }
0xaf: {  	[dreg:$0x2] =	wrdreg s2  }
0xb0: {  	[dreg:$0x3] =	wrdreg s19  }
0xb1: {  	[dreg:$0x4] =	wrdreg $0x9  }
0xb2: {  	_ =	task.clear_ibuf [dreg:s8], $0x5FFFF;
	_ =	strace $0x90000046  }
0xb3: {  	s29 =	simm.s32 $0x9;
	_ =	strace $0x80000048  }
0xb4: {  	_ =	swait.ge [sflag:s29], $0x1  }
0xb5: {  	[sflag:s29] =	ssyncadd.s32 $0xFFFFFFFF  }
0xb6: {  	_ =	strace $0x90000048  }
0xb7: {  	_ =	sfence  }
0xb8: {  	s30 =	sld [smem:$0x0];
	_ =	sdelay $0x2  }
0xb9: {  	s31 =	sshll.u32 s1, $0xD;
	s1 =	sshrl.u32 s1, $0x2  }
0xba: {  	s3 =	sand.u32 $0x4000, s31;
	s1 =	sadd.s32 s1, s30  }
0xbb: {  	s0 =	sor.u32 s3, s0;
	s1 =	sshll.u32 s1, $0x11  }
0xbc: {  	s0 =	sor.u32 s1, s0  }
0xbd: {  	s0 =	sadd.s32 $0x8F2B, s0  }
0xbe: {  	[sflag:s0] =	ssyncadd.remote.s32 $0x1  }
0xbf: {  	_ =	sfence.sel $0xFFFF  }
0xc0: {  	[dreg:$0x0] =	wrdreg $0xFFFFFFFF;
	(pc) =	sbr.abs _section_cstart, $3  }
0xc1: {  	[dreg:$0x1] =	wrdreg $0xFFFFFFFF  }
0xc2: {  	_ =	task.clear_ibuf [dreg:s8], $0x2FFFF;
	_ =	strace $0x9FFFFFFF  }
0xc3: {  	(tm) =	ssettm $0x7FFFFFFF  }
tec
execute0_lowered:
.L_overlay_start_1:
0x0: {  	(tag) =	ssettag $0x1  }
0x1: {  	s1 =	srdreg.scid;
	s0 =	stileid.u32  }
0x2: {  	s20 =	sand.u32 $0x1, s1;
	s29 =	sshll.u32 s0, $0x1;
	s2 =	sshrl.u32 s0, $0x2  }
0x3: {  	s8 =	sshrl.u32 s0, $0x3;
	s1 =	sand.u32 $0x6, s29;
	s9 =	sand.u32 $0x1, s2  }
0x4: {  	s30 =	sshll.u32 s8, $0x17;
	s1 =	sor.u32 s20, s1;
	s3 =	sshll.u32 s9, $0x14  }
0x5: {  	s4 =	rddreg [dreg:$0x0];
	s11 =	sshll.u32 s1, $0xA;
	s31 =	sor.u32 s30, s3  }
0x6: {  	s12 =	rddreg [dreg:$0x1];
	s2 =	simm.s32 $0x0;
	s3 =	sor.u32 s11, s31  }
0x7: {  	s7 =	simm.s32 $0x100;
	[smem:$0x7FF] =	sst s2;
	s3 =	sshrl.u32 s3, $0x3  }
0x8: {  	s1 =	rddreg [dreg:$0x2];
	_ =	strace $0x80000047;
	s3 =	sadd.s32 s4, s3  }
0x9: {  	[tilespmem:s2], [sflag:$0x1] =	stream.linear.gather [hbm4b:s3+s2], $0x100, $0x38;
	[tilespmem:$0x400] =	vst v63  }
0xa: {  	s10 =	sshll.u32 s8, $0x14;
	s9 =	sshll.u32 s9, $0x13;
	s4 =	sadd.s32 $0x20, s3  }
0xb: {  	[tilespmem:s7], [sflag:$0x2] =	stream.linear.gather [hbm4b:s4+s2], $0x100, $0x38;
	[tilespmem:$0x400] =	vst v63  }
0xc: {  	s8 =	simm.s32 $0x200;
	s13 =	sor.u32 s10, s9;
	s5 =	sadd.s32 $0x40, s3  }
0xd: {  	[tilespmem:s8], [sflag:$0x3] =	stream.linear.gather [hbm4b:s5+s2], $0x100, $0x38;
	[tilespmem:$0x400] =	vst v63  }
0xe: {  	s9 =	simm.s32 $0x300;
	s10 =	simm.s32 $0x1;
	s6 =	sadd.s32 $0x60, s3  }
0xf: {  	[tilespmem:s9], [sflag:$0x4] =	stream.linear.gather [hbm4b:s6+s2], $0x100, $0x38;
	[tilespmem:$0x400] =	vst v63  }
0x10: {  	s11 =	sor.u32 s11, s13;
	_ =	swait.ge [sflag:s10], $0x100  }
0x11: {  	s11 =	sshrl.u32 s11, $0x3;
	[sflag:s10] =	ssyncset.done $0x0  }
0x12: {  	s11 =	sadd.s32 s12, s11;
	s12 =	simm.s32 $0x2;
	[sflag:s10] =	ssyncadd.s32 $0xFFFFFF00  }
0x13: {  	[hbm4b:s11+s2] =	stream.linear.scatter [tilespmem:s2], [sflag:$0x5], $0x100, $0x38;
	[tilespmem:$0x400] =	vst v63  }
0x14: {  	_ =	swait.ge [sflag:s12], $0x100  }
0x15: {  	[sflag:s12] =	ssyncset.done $0x0  }
0x16: {  	s14 =	simm.s32 $0x3;
	s13 =	sadd.s32 $0x20, s11;
	[sflag:s12] =	ssyncadd.s32 $0xFFFFFF00  }
0x17: {  	[hbm4b:s13+s2] =	stream.linear.scatter [tilespmem:s7], [sflag:$0x6], $0x100, $0x38;
	[tilespmem:$0x400] =	vst v63  }
0x18: {  	_ =	swait.ge [sflag:s14], $0x100  }
0x19: {  	[sflag:s14] =	ssyncset.done $0x0  }
0x1a: {  	s16 =	simm.s32 $0x4;
	s15 =	sadd.s32 $0x40, s11;
	[sflag:s14] =	ssyncadd.s32 $0xFFFFFF00  }
0x1b: {  	[hbm4b:s15+s2] =	stream.linear.scatter [tilespmem:s8], [sflag:$0x7], $0x100, $0x38;
	[tilespmem:$0x400] =	vst v63  }
0x1c: {  	_ =	swait.ge [sflag:s16], $0x100  }
0x1d: {  	[sflag:s16] =	ssyncset.done $0x0  }
0x1e: {  	s18 =	simm.s32 $0x5;
	s17 =	sadd.s32 $0x60, s11;
	[sflag:s16] =	ssyncadd.s32 $0xFFFFFF00  }
0x1f: {  	[hbm4b:s17+s2] =	stream.linear.scatter [tilespmem:s9], [sflag:$0x8], $0x100, $0x38;
	[tilespmem:$0x400] =	vst v63  }
0x20: {  	_ =	swait.ge [sflag:s18], $0x100  }
0x21: {  	s21 =	ssub.s32 $0x2, s20;
	[sflag:s18] =	ssyncset.done $0x0  }
0x22: {  	s19 =	simm.s32 $0x6;
	s22 =	sshrl.u32 s21, $0x1;
	[sflag:s18] =	ssyncadd.s32 $0xFFFFFF00  }
0x23: {  	s21 =	ssub.s32 s21, s22;
	_ =	swait.ge [sflag:s19], $0x100  }
0x24: {  	s22 =	smax.u32 s21, $0x1;
	[sflag:s19] =	ssyncset.done $0x0  }
0x25: {  	s20 =	simm.s32 $0x7;
	p0 =	sne.s32 s22, $0x1;
	[sflag:s19] =	ssyncadd.s32 $0xFFFFFF00  }
.Ltmp0:
0x26: {  	_ =	swait.ge [sflag:s20], $0x100;
	(pc) =	sbr.rel @!p0 .LBB2_2-.Ltmp0, $4  }
0x27: {  	[sflag:s20] =	ssyncset.done $0x0  }
0x28: {  	s21 =	simm.s32 $0x8;
	[sflag:s20] =	ssyncadd.s32 $0xFFFFFF00  }
0x29: {  	_ =	swait.ge [sflag:s21], $0x100  }
0x2a: {  	s22 =	sadd.s32 $0xFFFFFFFF, s22;
	[sflag:s21] =	ssyncset.done $0x0  }
.LBB2_1:
0x2b: {  	p0 =	sne.s32 s22, $0x1;
	s22 =	sadd.s32 $0xFFFFFFFF, s22;
	[sflag:s21] =	ssyncadd.s32 $0xFFFFFF00  }
0x2c: {  	[tilespmem:s2], [sflag:$0x1] =	stream.linear.gather [hbm4b:s3+s2], $0x100, $0x38;
	[tilespmem:$0x400] =	vst v63  }
0x2d: {  	_ = 	snop  }
0x2e: {  	[tilespmem:s7], [sflag:$0x2] =	stream.linear.gather [hbm4b:s4+s2], $0x100, $0x38;
	[tilespmem:$0x400] =	vst v63  }
0x2f: {  	_ = 	snop  }
0x30: {  	[tilespmem:s8], [sflag:$0x3] =	stream.linear.gather [hbm4b:s5+s2], $0x100, $0x38;
	[tilespmem:$0x400] =	vst v63  }
0x31: {  	_ = 	snop  }
0x32: {  	[tilespmem:s9], [sflag:$0x4] =	stream.linear.gather [hbm4b:s6+s2], $0x100, $0x38;
	[tilespmem:$0x400] =	vst v63  }
0x33: {  	_ =	swait.ge [sflag:s10], $0x100  }
0x34: {  	[sflag:s10] =	ssyncset.done $0x0  }
0x35: {  	[sflag:s10] =	ssyncadd.s32 $0xFFFFFF00  }
0x36: {  	[hbm4b:s11+s2] =	stream.linear.scatter [tilespmem:s2], [sflag:$0x5], $0x100, $0x38;
	[tilespmem:$0x400] =	vst v63  }
0x37: {  	_ =	swait.ge [sflag:s12], $0x100  }
0x38: {  	[sflag:s12] =	ssyncset.done $0x0  }
0x39: {  	[sflag:s12] =	ssyncadd.s32 $0xFFFFFF00  }
0x3a: {  	[hbm4b:s13+s2] =	stream.linear.scatter [tilespmem:s7], [sflag:$0x6], $0x100, $0x38;
	[tilespmem:$0x400] =	vst v63  }
0x3b: {  	_ =	swait.ge [sflag:s14], $0x100  }
0x3c: {  	[sflag:s14] =	ssyncset.done $0x0  }
0x3d: {  	[sflag:s14] =	ssyncadd.s32 $0xFFFFFF00  }
0x3e: {  	[hbm4b:s15+s2] =	stream.linear.scatter [tilespmem:s8], [sflag:$0x7], $0x100, $0x38;
	[tilespmem:$0x400] =	vst v63  }
0x3f: {  	_ =	swait.ge [sflag:s16], $0x100  }
0x40: {  	[sflag:s16] =	ssyncset.done $0x0  }
0x41: {  	[sflag:s16] =	ssyncadd.s32 $0xFFFFFF00  }
0x42: {  	[hbm4b:s17+s2] =	stream.linear.scatter [tilespmem:s9], [sflag:$0x8], $0x100, $0x38;
	[tilespmem:$0x400] =	vst v63  }
0x43: {  	_ =	swait.ge [sflag:s18], $0x100  }
0x44: {  	[sflag:s18] =	ssyncset.done $0x0  }
0x45: {  	[sflag:s18] =	ssyncadd.s32 $0xFFFFFF00  }
0x46: {  	_ =	swait.ge [sflag:s19], $0x100  }
0x47: {  	[sflag:s19] =	ssyncset.done $0x0  }
0x48: {  	[sflag:s19] =	ssyncadd.s32 $0xFFFFFF00  }
.Ltmp1:
0x49: {  	_ =	swait.ge [sflag:s20], $0x100;
	(pc) =	sbr.rel @p0 .LBB2_1-.Ltmp1, $4  }
0x4a: {  	[sflag:s20] =	ssyncset.done $0x0  }
0x4b: {  	[sflag:s20] =	ssyncadd.s32 $0xFFFFFF00  }
0x4c: {  	_ =	swait.ge [sflag:s21], $0x100  }
0x4d: {  	[sflag:s21] =	ssyncset.done $0x0  }
.LBB2_2:
0x4e: {  	[sflag:s21] =	ssyncadd.s32 $0xFFFFFF00  }
0x4f: {  	_ =	sfence.sel $0x180000  }
0x50: {  	[bflag:$0x0] =	sbarrier.arrive $0xFFFF  }
0x51: {  	p0 =	sne.s32 s0, $0x0;
	_ =	strace $0x90000047  }
0x52: {  	s0 =	sadd.s32 @!p0 $0x100000, s1;
	[bflag:$0x2] =	sbarrier.arrive $0xFFFF  }
0x53: {  	[sflag:s0] =	ssyncadd.tile.s32 @!p0 $0x1;
	_ =	shalt  }
.Lfunc_end2:
_tile_overlayer_lowered:
.L_overlay_start_2:
0x54: {  	(tag) =	ssettag $0x2  }
0x55: {  	s0 =	rddreg [dreg:$0x0];
	s2 =	stileid.u32  }
0x56: {  	s1 =	rddreg [dreg:$0x1];
	p0 =	sne.s32 s2, $0x0  }
0x57: {  	s3 =	rddreg [dreg:$0x2];
	[bflag:$0x3] =	sbarrier.arrive $0xFFFF;
	s2 =	simm.s32 @!p0 $0x1C09  }
0x58: {  	[timem:s3], [sflag:s2] =	dma.local @!p0 [hbm:s0], s1  }
0x59: {  	s0 =	simm.s32 @!p0 $0x9  }
0x5a: {  	_ =	swait.ge @!p0 [sflag:s0], s1  }
0x5b: {  	s1 =	ssub.s32 @!p0 $0x0, s1;
	[sflag:s0] =	ssyncset.done @!p0 $0x0  }
0x5c: {  	[sflag:s0] =	ssyncadd.s32 @!p0 s1  }
0x5d: {  	[bflag:$0x3] =	sbarrier.arrive $0xFFFF  }
0x5e: {  	_ =	shalt  }

</sc_bundles>
